<compile_context>
chip_gen: v7x
topology: tpu7x:2x2x1
jax: 0.10.2.dev20260603
libtpu: 0.0.44.dev20260713+nightly
codegen_flags: <defaults>
</compile_context>

<pallas_src>
import jax
import jax.numpy as jnp
from jax import lax
from jax.experimental import pallas as pl
from jax.experimental.pallas import tpu as pltpu
from jax.experimental.pallas import tpu_sc as plsc

N = 10000
E = 160000
D = 256
K = 10
ALPHA = 0.1
BETA = 0.9
_s = sum(BETA**j for j in range(K))
THETA = BETA**K + ALPHA * _s

NP = 10240
R = 80
NBLK = NP // R
NTILES = 16
EPW = E // NTILES
BLOCKW = (R + 1) * NP
PER_TILE_W = BLOCKW // NTILES


def _sc_body(row_hbm, col_hbm, c_out, deg_out, rowv, colv, idxv, onesv,
             zerosv, blk_sh, deg_sh):
    c = lax.axis_index("c")
    s = lax.axis_index("s")

    pltpu.sync_copy(row_hbm.at[pl.ds(s * EPW, EPW)], rowv)
    pltpu.sync_copy(col_hbm.at[pl.ds(s * EPW, EPW)], colv)

    def initbuf(i, carry):
        onesv[pl.ds(i * 16, 16)] = jnp.ones((16,), jnp.float32)
        zerosv[pl.ds(i * 16, 16)] = jnp.zeros((16,), jnp.float32)
        return carry
    lax.fori_loop(0, EPW // 16, initbuf, 0)

    _full, _rem = PER_TILE_W // EPW, PER_TILE_W % EPW
    for i in range(_full):
        pltpu.sync_copy(zerosv,
                        blk_sh.at[pl.ds(s * PER_TILE_W + i * EPW, EPW)])
    if _rem:
        pltpu.sync_copy(zerosv.at[pl.ds(0, _rem)],
                        blk_sh.at[pl.ds(s * PER_TILE_W + _full * EPW, _rem)])
    pltpu.sync_copy(zerosv.at[pl.ds(0, NP // NTILES)],
                    deg_sh.at[pl.ds(s * (NP // NTILES), NP // NTILES)])
    plsc.subcore_barrier()

    @pl.when(c == 0)
    def _deg():
        pltpu.sync_copy(onesv, deg_sh.at[rowv], add=True)
        plsc.subcore_barrier()
        pltpu.sync_copy(deg_sh.at[pl.ds(s * (NP // NTILES), NP // NTILES)],
                        deg_out.at[pl.ds(s * (NP // NTILES), NP // NTILES)])

    def blk_body(j, carry):
        b = 2 * j + c
        base = b * R

        def idx_body(i, icarry):
            r16 = rowv[pl.ds(i * 16, 16)]
            c16 = colv[pl.ds(i * 16, 16)]
            inb = (r16 >= base) & (r16 < base + R)
            idxv[pl.ds(i * 16, 16)] = jnp.where(
                inb, (r16 - base) * NP + c16, R * NP + c16)
            return icarry
        lax.fori_loop(0, EPW // 16, idx_body, 0)

        pltpu.sync_copy(onesv, blk_sh.at[idxv], add=True)
        plsc.subcore_barrier()
        rpt = R // NTILES
        for rr in range(rpt):
            pltpu.sync_copy(blk_sh.at[pl.ds((s * rpt + rr) * NP, NP)],
                            c_out.at[base + s * rpt + rr])
        plsc.subcore_barrier()
        pltpu.sync_copy(zerosv, blk_sh.at[idxv])
        plsc.subcore_barrier()
        return carry

    lax.fori_loop(0, NBLK // 2, blk_body, 0)


@jax.jit
def _sc_build(row, col):
    mesh = plsc.VectorSubcoreMesh(core_axis_name="c", subcore_axis_name="s")
    f = pl.kernel(
        _sc_body,
        out_type=[
            jax.ShapeDtypeStruct((NP, NP), jnp.float32),
            jax.ShapeDtypeStruct((NP,), jnp.float32),
        ],
        mesh=mesh,
        scratch_types=[
            pltpu.VMEM((EPW,), jnp.int32),
            pltpu.VMEM((EPW,), jnp.int32),
            pltpu.VMEM((EPW,), jnp.int32),
            pltpu.VMEM((EPW,), jnp.float32),
            pltpu.VMEM((EPW,), jnp.float32),
            pltpu.VMEM_SHARED((BLOCKW,), jnp.float32),
            pltpu.VMEM_SHARED((NP,), jnp.float32),
        ],
    )
    return f(row, col)


BR = 256
NRB = NP // BR


def _tc_body(deg_ref, x_ref, c_ref, out_ref, g0, g1, dinv_ref):
    k = pl.program_id(0)
    r = pl.program_id(1)

    @pl.when((k == 0) & (r == 0))
    def _init():
        deg = deg_ref[...]
        dinv = jnp.where(deg > 0.0,
                         lax.rsqrt(jnp.maximum(deg, 1e-12)),
                         0.0)
        dinv_ref[...] = dinv
        g0[...] = (dinv * x_ref[...]).astype(jnp.bfloat16)

    def _step(gread, gwrite):
        blk = c_ref[...]
        srow = jnp.dot(blk, gread[...], preferred_element_type=jnp.float32)
        dr = dinv_ref[pl.ds(r * BR, BR), :]
        xb = x_ref[pl.ds(r * BR, BR), :]
        hb = BETA * (dr * srow) + ALPHA * xb
        out_ref[...] = hb * (1.0 / THETA)
        gwrite[pl.ds(r * BR, BR), :] = (dr * hb).astype(jnp.bfloat16)

    @pl.when(k % 2 == 0)
    def _even():
        _step(g0, g1)

    @pl.when(k % 2 == 1)
    def _odd():
        _step(g1, g0)


@jax.jit
def _tc_diffuse(deg, xp, cmat):
    return pl.pallas_call(
        _tc_body,
        grid=(K, NRB),
        in_specs=[
            pl.BlockSpec((NP, 1), lambda k, r: (0, 0)),
            pl.BlockSpec((NP, D), lambda k, r: (0, 0)),
            pl.BlockSpec((BR, NP), lambda k, r: (r, 0)),
        ],
        out_specs=pl.BlockSpec((BR, D), lambda k, r: (r, 0)),
        out_shape=jax.ShapeDtypeStruct((NP, D), jnp.float32),
        scratch_shapes=[
            pltpu.VMEM((NP, D), jnp.bfloat16),
            pltpu.VMEM((NP, D), jnp.bfloat16),
            pltpu.VMEM((NP, 1), jnp.float32),
        ],
        compiler_params=pltpu.CompilerParams(
            dimension_semantics=("arbitrary", "arbitrary"),
            vmem_limit_bytes=100 * 1024 * 1024,
        ),
    )(deg, xp, cmat)


def kernel(x, edge_index):
    row = edge_index[0]
    col = edge_index[1]
    xp = jnp.pad(x, ((0, NP - N), (0, 0)))
    c2d, deg = _sc_build(row, col)
    cvec = c2d.astype(jnp.float8_e4m3fn)
    out = _tc_diffuse(deg.reshape(NP, 1), xp, cvec)
    return out[:N]

# --- scband reference (transcript-rebuilt; emitter-appended) ---
"""Pipeline reference for scband-hetero-mgdn-32985348833782 (READ-ONLY COPY).

The authoritative reference and input builder live on the scoring server;
editing this copy changes nothing except your own understanding.
"""

import jax, jax.numpy as jnp
import numpy as np

N = 10000
E = 160000
D = 256
K = 10
ALPHA = 0.1
BETA = 0.9


def compute_normalized_denominator(alpha, beta, k):
    # theta = beta^k + alpha * sum_{j=0}^{k-1} beta^j
    s = 0.0
    for j in range(k):
        s += beta ** j
    return beta ** k + alpha * s

THETA = compute_normalized_denominator(ALPHA, BETA, K)


def setup_inputs(seed: int = 0) -> dict:
    key = jax.random.key(seed)
    k1, k2 = jax.random.split(key)
    x = jax.random.normal(k1, (N, D), dtype=jnp.float32)
    edge_index = jax.random.randint(k2, (2, E), 0, N, dtype=jnp.int32)
    return {"x": x, "edge_index": edge_index}


def reference(x, edge_index):
    row = edge_index[0]
    col = edge_index[1]
    num_nodes = x.shape[0]
    # LightGCN-style symmetric normalization (no self loops):
    # deg = segment_sum(ones, row); w_e = deg[row]^-1/2 * deg[col]^-1/2
    ones = jnp.ones((edge_index.shape[1],), dtype=x.dtype)
    deg = jnp.zeros((num_nodes,), dtype=x.dtype).at[row].add(ones)
    deg_inv_sqrt = jnp.where(deg > 0, jax.lax.rsqrt(jnp.maximum(deg, 1e-12)), 0.0)
    w = deg_inv_sqrt[row] * deg_inv_sqrt[col]

    def spmm(h):
        # (normed_sparse_adj @ h): out[row] += w * h[col]
        gathered = jnp.take(h, col, axis=0) * w[:, None]
        return jnp.zeros_like(h).at[row].add(gathered)

    h = x  # x_dropout is identity (rate 0.0, training None)
    output = h
    for _ in range(K):
        output = spmm(output)
        output = output * BETA + h * ALPHA
    # activation is None
    output = output / THETA
    # z_dropout identity
    return output

if __name__ == "__main__":
    import jax
    _d = setup_inputs()
    print(jax.jit(kernel)(*tuple(_d.values())))

</pallas_src>

<mosaic_0001>
#map = affine_map<(d0, d1) -> (0)>
#map1 = affine_map<(d0, d1) -> (0, 0)>
module attributes {stable_mosaic.version = 14 : i64} {
  func.func @_sc_body(%arg0: i32, %arg1: i32, %arg2: memref<160000xi32, #tpu.memory_space<hbm>>, %arg3: memref<160000xi32, #tpu.memory_space<hbm>>, %arg4: memref<10240x10240xf32, #tpu.memory_space<hbm>>, %arg5: memref<10240xf32, #tpu.memory_space<hbm>>, %arg6: memref<10000xi32, #tpu.memory_space<vmem>>, %arg7: memref<10000xi32, #tpu.memory_space<vmem>>, %arg8: memref<10000xi32, #tpu.memory_space<vmem>>, %arg9: memref<10000xf32, #tpu.memory_space<vmem>>, %arg10: memref<10000xf32, #tpu.memory_space<vmem>>, %arg11: memref<829440xf32, #tpu.memory_space<vmem_shared>>, %arg12: memref<10240xf32, #tpu.memory_space<vmem_shared>>) attributes {dimension_semantics = [#tpu.dimension_semantics<core_parallel>, #tpu.dimension_semantics<subcore_parallel>], iteration_bounds = array<i64: 2, 16>, scalar_prefetch = 0 : i64, scratch_operands = 7 : i64, tpu.core_type = #tpu.core_type<sc_vector_subcore>, window_params = [{transform_indices = #map}, {transform_indices = #map}, {transform_indices = #map1}, {transform_indices = #map}]} {
    %mul3A = arith.constant 10000 : i32
    %mul3A_0 = arith.muli %arg1, %mul3A : i32
    "tpu.region"() ({
      %run_scoped3A = tpu.sem_alloc : memref<!tpu.dma_semaphore, #tpu.memory_space<semaphore_mem>>
      %dma_start3A = tpu.memref_slice %arg2[%mul3A_0] : memref<160000xi32, #tpu.memory_space<hbm>> -> memref<10000xi32, #tpu.memory_space<hbm>>
      %dma_start3A_41 = tpu.memref_slice %arg2[%mul3A_0] : memref<160000xi32, #tpu.memory_space<hbm>> -> memref<10000xi32, #tpu.memory_space<hbm>>
      tpu.enqueue_dma source(%dma_start3A_41 : memref<10000xi32, #tpu.memory_space<hbm>>) target(%arg6 : memref<10000xi32, #tpu.memory_space<vmem>>) target_semaphore(%run_scoped3A : memref<!tpu.dma_semaphore, #tpu.memory_space<semaphore_mem>>)
      %dma_wait3A = tpu.memref_slice %arg2[%mul3A_0] : memref<160000xi32, #tpu.memory_space<hbm>> -> memref<10000xi32, #tpu.memory_space<hbm>>
      %dma_wait3A_42 = tpu.memref_slice %arg2[%mul3A_0] : memref<160000xi32, #tpu.memory_space<hbm>> -> memref<10000xi32, #tpu.memory_space<hbm>>
      tpu.wait_dma2 semaphore(%run_scoped3A : memref<!tpu.dma_semaphore, #tpu.memory_space<semaphore_mem>>) src(%dma_wait3A_42 : memref<10000xi32, #tpu.memory_space<hbm>>) dst(%arg6 : memref<10000xi32, #tpu.memory_space<vmem>>)
      tpu.yield
    }) : () -> ()
    %mul3A_1 = arith.constant 10000 : i32
    %mul3A_2 = arith.muli %arg1, %mul3A_1 : i32
    "tpu.region"() ({
      %run_scoped3A = tpu.sem_alloc : memref<!tpu.dma_semaphore, #tpu.memory_space<semaphore_mem>>
      %dma_start3A = tpu.memref_slice %arg3[%mul3A_2] : memref<160000xi32, #tpu.memory_space<hbm>> -> memref<10000xi32, #tpu.memory_space<hbm>>
      %dma_start3A_41 = tpu.memref_slice %arg3[%mul3A_2] : memref<160000xi32, #tpu.memory_space<hbm>> -> memref<10000xi32, #tpu.memory_space<hbm>>
      tpu.enqueue_dma source(%dma_start3A_41 : memref<10000xi32, #tpu.memory_space<hbm>>) target(%arg7 : memref<10000xi32, #tpu.memory_space<vmem>>) target_semaphore(%run_scoped3A : memref<!tpu.dma_semaphore, #tpu.memory_space<semaphore_mem>>)
      %dma_wait3A = tpu.memref_slice %arg3[%mul3A_2] : memref<160000xi32, #tpu.memory_space<hbm>> -> memref<10000xi32, #tpu.memory_space<hbm>>
      %dma_wait3A_42 = tpu.memref_slice %arg3[%mul3A_2] : memref<160000xi32, #tpu.memory_space<hbm>> -> memref<10000xi32, #tpu.memory_space<hbm>>
      tpu.wait_dma2 semaphore(%run_scoped3A : memref<!tpu.dma_semaphore, #tpu.memory_space<semaphore_mem>>) src(%dma_wait3A_42 : memref<10000xi32, #tpu.memory_space<hbm>>) dst(%arg7 : memref<10000xi32, #tpu.memory_space<vmem>>)
      tpu.yield
    }) : () -> ()
    %scan3A = arith.constant 0 : i32
    %scan3A_3 = arith.constant 0 : i32
    %scan3A_4 = arith.constant 625 : i32
    %scan3A_5 = arith.addi %scan3A_3, %scan3A_4 : i32
    %scan3A_6 = arith.constant 1 : i32
    scf.for %scan3A_41 = %scan3A_3 to %scan3A_5 step %scan3A_6  : i32 {
      %broadcast_in_dim3A = arith.constant 1.000000e+00 : f32
      %broadcast_in_dim3A_42 = vector.broadcast %broadcast_in_dim3A : f32 to vector<16xf32>
      %mul3A_43 = arith.constant 16 : i32
      %mul3A_44 = arith.muli %scan3A_41, %mul3A_43 : i32
      %swap3A = arith.index_cast %mul3A_44 : i32 to index
      %swap3A_45 = tpu.vector_load %arg9[%swap3A] {strides = array<i32>} : memref<10000xf32, #tpu.memory_space<vmem>>, vector<16xf32>,
      %swap3A_46 = vector.shape_cast %swap3A_45 : vector<16xf32> to vector<16xf32>
      %swap3A_47 = vector.shape_cast %broadcast_in_dim3A_42 : vector<16xf32> to vector<16xf32>
      tpu.vector_store %arg9[%swap3A], %swap3A_47 {strides = array<i32>} : memref<10000xf32, #tpu.memory_space<vmem>>, vector<16xf32>,
      %broadcast_in_dim3A_48 = arith.constant 0.000000e+00 : f32
      %broadcast_in_dim3A_49 = vector.broadcast %broadcast_in_dim3A_48 : f32 to vector<16xf32>
      %mul3A_50 = arith.constant 16 : i32
      %mul3A_51 = arith.muli %scan3A_41, %mul3A_50 : i32
      %swap3A_52 = arith.index_cast %mul3A_51 : i32 to index
      %swap3A_53 = tpu.vector_load %arg10[%swap3A_52] {strides = array<i32>} : memref<10000xf32, #tpu.memory_space<vmem>>, vector<16xf32>,
      %swap3A_54 = vector.shape_cast %swap3A_53 : vector<16xf32> to vector<16xf32>
      %swap3A_55 = vector.shape_cast %broadcast_in_dim3A_49 : vector<16xf32> to vector<16xf32>
      tpu.vector_store %arg10[%swap3A_52], %swap3A_55 {strides = array<i32>} : memref<10000xf32, #tpu.memory_space<vmem>>, vector<16xf32>,
    }
    %scan3A_7 = arith.constant 625 : i32
    %mul3A_8 = arith.constant 51840 : i32
    %mul3A_9 = arith.muli %arg1, %mul3A_8 : i32
    %add3A = arith.constant 0 : i32
    %add3A_10 = arith.addi %mul3A_9, %add3A : i32
    "tpu.region"() ({
      %run_scoped3A = tpu.sem_alloc : memref<!tpu.dma_semaphore, #tpu.memory_space<semaphore_mem>>
      %dma_start3A = tpu.memref_slice %arg11[%add3A_10] : memref<829440xf32, #tpu.memory_space<vmem_shared>> -> memref<10000xf32, #tpu.memory_space<vmem_shared>>
      %dma_start3A_41 = tpu.memref_slice %arg11[%add3A_10] : memref<829440xf32, #tpu.memory_space<vmem_shared>> -> memref<10000xf32, #tpu.memory_space<vmem_shared>>
      tpu.enqueue_dma source(%arg10 : memref<10000xf32, #tpu.memory_space<vmem>>) target(%dma_start3A_41 : memref<10000xf32, #tpu.memory_space<vmem_shared>>) target_semaphore(%run_scoped3A : memref<!tpu.dma_semaphore, #tpu.memory_space<semaphore_mem>>)
      %dma_wait3A = tpu.memref_slice %arg11[%add3A_10] : memref<829440xf32, #tpu.memory_space<vmem_shared>> -> memref<10000xf32, #tpu.memory_space<vmem_shared>>
      %dma_wait3A_42 = tpu.memref_slice %arg11[%add3A_10] : memref<829440xf32, #tpu.memory_space<vmem_shared>> -> memref<10000xf32, #tpu.memory_space<vmem_shared>>
      tpu.wait_dma2 semaphore(%run_scoped3A : memref<!tpu.dma_semaphore, #tpu.memory_space<semaphore_mem>>) src(%arg10 : memref<10000xf32, #tpu.memory_space<vmem>>) dst(%dma_wait3A_42 : memref<10000xf32, #tpu.memory_space<vmem_shared>>)
      tpu.yield
    }) : () -> ()
    %mul3A_11 = arith.constant 51840 : i32
    %mul3A_12 = arith.muli %arg1, %mul3A_11 : i32
    %add3A_13 = arith.constant 10000 : i32
    %add3A_14 = arith.addi %mul3A_12, %add3A_13 : i32
    "tpu.region"() ({
      %run_scoped3A = tpu.sem_alloc : memref<!tpu.dma_semaphore, #tpu.memory_space<semaphore_mem>>
      %dma_start3A = tpu.memref_slice %arg11[%add3A_14] : memref<829440xf32, #tpu.memory_space<vmem_shared>> -> memref<10000xf32, #tpu.memory_space<vmem_shared>>
      %dma_start3A_41 = tpu.memref_slice %arg11[%add3A_14] : memref<829440xf32, #tpu.memory_space<vmem_shared>> -> memref<10000xf32, #tpu.memory_space<vmem_shared>>
      tpu.enqueue_dma source(%arg10 : memref<10000xf32, #tpu.memory_space<vmem>>) target(%dma_start3A_41 : memref<10000xf32, #tpu.memory_space<vmem_shared>>) target_semaphore(%run_scoped3A : memref<!tpu.dma_semaphore, #tpu.memory_space<semaphore_mem>>)
      %dma_wait3A = tpu.memref_slice %arg11[%add3A_14] : memref<829440xf32, #tpu.memory_space<vmem_shared>> -> memref<10000xf32, #tpu.memory_space<vmem_shared>>
      %dma_wait3A_42 = tpu.memref_slice %arg11[%add3A_14] : memref<829440xf32, #tpu.memory_space<vmem_shared>> -> memref<10000xf32, #tpu.memory_space<vmem_shared>>
      tpu.wait_dma2 semaphore(%run_scoped3A : memref<!tpu.dma_semaphore, #tpu.memory_space<semaphore_mem>>) src(%arg10 : memref<10000xf32, #tpu.memory_space<vmem>>) dst(%dma_wait3A_42 : memref<10000xf32, #tpu.memory_space<vmem_shared>>)
      tpu.yield
    }) : () -> ()
    %mul3A_15 = arith.constant 51840 : i32
    %mul3A_16 = arith.muli %arg1, %mul3A_15 : i32
    %add3A_17 = arith.constant 20000 : i32
    %add3A_18 = arith.addi %mul3A_16, %add3A_17 : i32
    "tpu.region"() ({
      %run_scoped3A = tpu.sem_alloc : memref<!tpu.dma_semaphore, #tpu.memory_space<semaphore_mem>>
      %dma_start3A = tpu.memref_slice %arg11[%add3A_18] : memref<829440xf32, #tpu.memory_space<vmem_shared>> -> memref<10000xf32, #tpu.memory_space<vmem_shared>>
      %dma_start3A_41 = tpu.memref_slice %arg11[%add3A_18] : memref<829440xf32, #tpu.memory_space<vmem_shared>> -> memref<10000xf32, #tpu.memory_space<vmem_shared>>
      tpu.enqueue_dma source(%arg10 : memref<10000xf32, #tpu.memory_space<vmem>>) target(%dma_start3A_41 : memref<10000xf32, #tpu.memory_space<vmem_shared>>) target_semaphore(%run_scoped3A : memref<!tpu.dma_semaphore, #tpu.memory_space<semaphore_mem>>)
      %dma_wait3A = tpu.memref_slice %arg11[%add3A_18] : memref<829440xf32, #tpu.memory_space<vmem_shared>> -> memref<10000xf32, #tpu.memory_space<vmem_shared>>
      %dma_wait3A_42 = tpu.memref_slice %arg11[%add3A_18] : memref<829440xf32, #tpu.memory_space<vmem_shared>> -> memref<10000xf32, #tpu.memory_space<vmem_shared>>
      tpu.wait_dma2 semaphore(%run_scoped3A : memref<!tpu.dma_semaphore, #tpu.memory_space<semaphore_mem>>) src(%arg10 : memref<10000xf32, #tpu.memory_space<vmem>>) dst(%dma_wait3A_42 : memref<10000xf32, #tpu.memory_space<vmem_shared>>)
      tpu.yield
    }) : () -> ()
    %mul3A_19 = arith.constant 51840 : i32
    %mul3A_20 = arith.muli %arg1, %mul3A_19 : i32
    %add3A_21 = arith.constant 30000 : i32
    %add3A_22 = arith.addi %mul3A_20, %add3A_21 : i32
    "tpu.region"() ({
      %run_scoped3A = tpu.sem_alloc : memref<!tpu.dma_semaphore, #tpu.memory_space<semaphore_mem>>
      %dma_start3A = tpu.memref_slice %arg11[%add3A_22] : memref<829440xf32, #tpu.memory_space<vmem_shared>> -> memref<10000xf32, #tpu.memory_space<vmem_shared>>
      %dma_start3A_41 = tpu.memref_slice %arg11[%add3A_22] : memref<829440xf32, #tpu.memory_space<vmem_shared>> -> memref<10000xf32, #tpu.memory_space<vmem_shared>>
      tpu.enqueue_dma source(%arg10 : memref<10000xf32, #tpu.memory_space<vmem>>) target(%dma_start3A_41 : memref<10000xf32, #tpu.memory_space<vmem_shared>>) target_semaphore(%run_scoped3A : memref<!tpu.dma_semaphore, #tpu.memory_space<semaphore_mem>>)
      %dma_wait3A = tpu.memref_slice %arg11[%add3A_22] : memref<829440xf32, #tpu.memory_space<vmem_shared>> -> memref<10000xf32, #tpu.memory_space<vmem_shared>>
      %dma_wait3A_42 = tpu.memref_slice %arg11[%add3A_22] : memref<829440xf32, #tpu.memory_space<vmem_shared>> -> memref<10000xf32, #tpu.memory_space<vmem_shared>>
      tpu.wait_dma2 semaphore(%run_scoped3A : memref<!tpu.dma_semaphore, #tpu.memory_space<semaphore_mem>>) src(%arg10 : memref<10000xf32, #tpu.memory_space<vmem>>) dst(%dma_wait3A_42 : memref<10000xf32, #tpu.memory_space<vmem_shared>>)
      tpu.yield
    }) : () -> ()
    %mul3A_23 = arith.constant 51840 : i32
    %mul3A_24 = arith.muli %arg1, %mul3A_23 : i32
    %add3A_25 = arith.constant 40000 : i32
    %add3A_26 = arith.addi %mul3A_24, %add3A_25 : i32
    "tpu.region"() ({
      %run_scoped3A = tpu.sem_alloc : memref<!tpu.dma_semaphore, #tpu.memory_space<semaphore_mem>>
      %dma_start3A = tpu.memref_slice %arg11[%add3A_26] : memref<829440xf32, #tpu.memory_space<vmem_shared>> -> memref<10000xf32, #tpu.memory_space<vmem_shared>>
      %dma_start3A_41 = tpu.memref_slice %arg11[%add3A_26] : memref<829440xf32, #tpu.memory_space<vmem_shared>> -> memref<10000xf32, #tpu.memory_space<vmem_shared>>
      tpu.enqueue_dma source(%arg10 : memref<10000xf32, #tpu.memory_space<vmem>>) target(%dma_start3A_41 : memref<10000xf32, #tpu.memory_space<vmem_shared>>) target_semaphore(%run_scoped3A : memref<!tpu.dma_semaphore, #tpu.memory_space<semaphore_mem>>)
      %dma_wait3A = tpu.memref_slice %arg11[%add3A_26] : memref<829440xf32, #tpu.memory_space<vmem_shared>> -> memref<10000xf32, #tpu.memory_space<vmem_shared>>
      %dma_wait3A_42 = tpu.memref_slice %arg11[%add3A_26] : memref<829440xf32, #tpu.memory_space<vmem_shared>> -> memref<10000xf32, #tpu.memory_space<vmem_shared>>
      tpu.wait_dma2 semaphore(%run_scoped3A : memref<!tpu.dma_semaphore, #tpu.memory_space<semaphore_mem>>) src(%arg10 : memref<10000xf32, #tpu.memory_space<vmem>>) dst(%dma_wait3A_42 : memref<10000xf32, #tpu.memory_space<vmem_shared>>)
      tpu.yield
    }) : () -> ()
    %mul3A_27 = arith.constant 51840 : i32
    %mul3A_28 = arith.muli %arg1, %mul3A_27 : i32
    %add3A_29 = arith.constant 50000 : i32
    %add3A_30 = arith.addi %mul3A_28, %add3A_29 : i32
    "tpu.region"() ({
      %run_scoped3A = tpu.sem_alloc : memref<!tpu.dma_semaphore, #tpu.memory_space<semaphore_mem>>
      %dma_start3A = arith.constant 0 : i32
      %dma_start3A_41 = tpu.memref_slice %arg10[%dma_start3A] : memref<10000xf32, #tpu.memory_space<vmem>> -> memref<1840xf32, #tpu.memory_space<vmem>>
      %dma_start3A_42 = tpu.memref_slice %arg11[%add3A_30] : memref<829440xf32, #tpu.memory_space<vmem_shared>> -> memref<1840xf32, #tpu.memory_space<vmem_shared>>
      %dma_start3A_43 = tpu.memref_slice %arg11[%add3A_30] : memref<829440xf32, #tpu.memory_space<vmem_shared>> -> memref<1840xf32, #tpu.memory_space<vmem_shared>>
      %dma_start3A_44 = arith.constant 0 : i32
      %dma_start3A_45 = tpu.memref_slice %arg10[%dma_start3A_44] : memref<10000xf32, #tpu.memory_space<vmem>> -> memref<1840xf32, #tpu.memory_space<vmem>>
      tpu.enqueue_dma source(%dma_start3A_45 : memref<1840xf32, #tpu.memory_space<vmem>>) target(%dma_start3A_43 : memref<1840xf32, #tpu.memory_space<vmem_shared>>) target_semaphore(%run_scoped3A : memref<!tpu.dma_semaphore, #tpu.memory_space<semaphore_mem>>)
      %dma_wait3A = arith.constant 0 : i32
      %dma_wait3A_46 = tpu.memref_slice %arg10[%dma_wait3A] : memref<10000xf32, #tpu.memory_space<vmem>> -> memref<1840xf32, #tpu.memory_space<vmem>>
      %dma_wait3A_47 = tpu.memref_slice %arg11[%add3A_30] : memref<829440xf32, #tpu.memory_space<vmem_shared>> -> memref<1840xf32, #tpu.memory_space<vmem_shared>>
      %dma_wait3A_48 = tpu.memref_slice %arg11[%add3A_30] : memref<829440xf32, #tpu.memory_space<vmem_shared>> -> memref<1840xf32, #tpu.memory_space<vmem_shared>>
      %dma_wait3A_49 = arith.constant 0 : i32
      %dma_wait3A_50 = tpu.memref_slice %arg10[%dma_wait3A_49] : memref<10000xf32, #tpu.memory_space<vmem>> -> memref<1840xf32, #tpu.memory_space<vmem>>
      tpu.wait_dma2 semaphore(%run_scoped3A : memref<!tpu.dma_semaphore, #tpu.memory_space<semaphore_mem>>) src(%dma_wait3A_50 : memref<1840xf32, #tpu.memory_space<vmem>>) dst(%dma_wait3A_48 : memref<1840xf32, #tpu.memory_space<vmem_shared>>)
      tpu.yield
    }) : () -> ()
    %mul3A_31 = arith.constant 640 : i32
    %mul3A_32 = arith.muli %arg1, %mul3A_31 : i32
    "tpu.region"() ({
      %run_scoped3A = tpu.sem_alloc : memref<!tpu.dma_semaphore, #tpu.memory_space<semaphore_mem>>
      %dma_start3A = arith.constant 0 : i32
      %dma_start3A_41 = tpu.memref_slice %arg10[%dma_start3A] : memref<10000xf32, #tpu.memory_space<vmem>> -> memref<640xf32, #tpu.memory_space<vmem>>
      %dma_start3A_42 = tpu.memref_slice %arg12[%mul3A_32] : memref<10240xf32, #tpu.memory_space<vmem_shared>> -> memref<640xf32, #tpu.memory_space<vmem_shared>>
      %dma_start3A_43 = tpu.memref_slice %arg12[%mul3A_32] : memref<10240xf32, #tpu.memory_space<vmem_shared>> -> memref<640xf32, #tpu.memory_space<vmem_shared>>
      %dma_start3A_44 = arith.constant 0 : i32
      %dma_start3A_45 = tpu.memref_slice %arg10[%dma_start3A_44] : memref<10000xf32, #tpu.memory_space<vmem>> -> memref<640xf32, #tpu.memory_space<vmem>>
      tpu.enqueue_dma source(%dma_start3A_45 : memref<640xf32, #tpu.memory_space<vmem>>) target(%dma_start3A_43 : memref<640xf32, #tpu.memory_space<vmem_shared>>) target_semaphore(%run_scoped3A : memref<!tpu.dma_semaphore, #tpu.memory_space<semaphore_mem>>)
      %dma_wait3A = arith.constant 0 : i32
      %dma_wait3A_46 = tpu.memref_slice %arg10[%dma_wait3A] : memref<10000xf32, #tpu.memory_space<vmem>> -> memref<640xf32, #tpu.memory_space<vmem>>
      %dma_wait3A_47 = tpu.memref_slice %arg12[%mul3A_32] : memref<10240xf32, #tpu.memory_space<vmem_shared>> -> memref<640xf32, #tpu.memory_space<vmem_shared>>
      %dma_wait3A_48 = tpu.memref_slice %arg12[%mul3A_32] : memref<10240xf32, #tpu.memory_space<vmem_shared>> -> memref<640xf32, #tpu.memory_space<vmem_shared>>
      %dma_wait3A_49 = arith.constant 0 : i32
      %dma_wait3A_50 = tpu.memref_slice %arg10[%dma_wait3A_49] : memref<10000xf32, #tpu.memory_space<vmem>> -> memref<640xf32, #tpu.memory_space<vmem>>
      tpu.wait_dma2 semaphore(%run_scoped3A : memref<!tpu.dma_semaphore, #tpu.memory_space<semaphore_mem>>) src(%dma_wait3A_50 : memref<640xf32, #tpu.memory_space<vmem>>) dst(%dma_wait3A_48 : memref<640xf32, #tpu.memory_space<vmem_shared>>)
      tpu.yield
    }) : () -> ()
    %barrier3A = arith.constant 0 : index
    tpu.barrier barrier_id(%barrier3A)
    %eq3A = arith.constant 0 : i32
    %eq3A_33 = arith.cmpi eq, %arg0, %eq3A : i32
    %convert_element_type3A = arith.extui %eq3A_33 : i1 to i32
    %cond3A = arith.constant 0 : i32
    %cond3A_34 = arith.cmpi ne, %convert_element_type3A, %cond3A : i32
    scf.if %cond3A_34 {
      "tpu.region"() ({
        %run_scoped3A = tpu.sem_alloc : memref<!tpu.dma_semaphore, #tpu.memory_space<semaphore_mem>>
        %dma_start3A = arith.constant 0 : i32
        %dma_start3A_46 = tpu.memref_slice %arg12[%dma_start3A] : memref<10240xf32, #tpu.memory_space<vmem_shared>> -> memref<10240xf32, #tpu.memory_space<vmem_shared>>
        tpu.enqueue_indirect_dma source(%arg9 : memref<10000xf32, #tpu.memory_space<vmem>>) target(%dma_start3A_46 : memref<10240xf32, #tpu.memory_space<vmem_shared>>) offsets(%arg6 : memref<10000xi32, #tpu.memory_space<vmem>>) semaphore(%run_scoped3A : memref<!tpu.dma_semaphore, #tpu.memory_space<semaphore_mem>>) {add = true}
        %dma_wait3A = arith.constant 0 : i32
        %dma_wait3A_47 = tpu.memref_slice %arg12[%dma_wait3A] : memref<10240xf32, #tpu.memory_space<vmem_shared>> -> memref<10240xf32, #tpu.memory_space<vmem_shared>>
        tpu.wait_indirect_dma semaphore(%run_scoped3A : memref<!tpu.dma_semaphore, #tpu.memory_space<semaphore_mem>>) src(%arg9 : memref<10000xf32, #tpu.memory_space<vmem>>) dst(%dma_wait3A_47 : memref<10240xf32, #tpu.memory_space<vmem_shared>>)
        tpu.yield
      }) : () -> ()
      %barrier3A_41 = arith.constant 0 : index
      tpu.barrier barrier_id(%barrier3A_41)
      %mul3A_42 = arith.constant 640 : i32
      %mul3A_43 = arith.muli %arg1, %mul3A_42 : i32
      %mul3A_44 = arith.constant 640 : i32
      %mul3A_45 = arith.muli %arg1, %mul3A_44 : i32
      "tpu.region"() ({
        %run_scoped3A = tpu.sem_alloc : memref<!tpu.dma_semaphore, #tpu.memory_space<semaphore_mem>>
        %dma_start3A = tpu.memref_slice %arg5[%mul3A_45] : memref<10240xf32, #tpu.memory_space<hbm>> -> memref<640xf32, #tpu.memory_space<hbm>>
        %dma_start3A_46 = tpu.memref_slice %arg12[%mul3A_43] : memref<10240xf32, #tpu.memory_space<vmem_shared>> -> memref<640xf32, #tpu.memory_space<vmem_shared>>
        tpu.enqueue_dma source(%dma_start3A_46 : memref<640xf32, #tpu.memory_space<vmem_shared>>) target(%dma_start3A : memref<640xf32, #tpu.memory_space<hbm>>) target_semaphore(%run_scoped3A : memref<!tpu.dma_semaphore, #tpu.memory_space<semaphore_mem>>)
        %dma_wait3A = tpu.memref_slice %arg5[%mul3A_45] : memref<10240xf32, #tpu.memory_space<hbm>> -> memref<640xf32, #tpu.memory_space<hbm>>
        %dma_wait3A_47 = tpu.memref_slice %arg12[%mul3A_43] : memref<10240xf32, #tpu.memory_space<vmem_shared>> -> memref<640xf32, #tpu.memory_space<vmem_shared>>
        tpu.wait_dma2 semaphore(%run_scoped3A : memref<!tpu.dma_semaphore, #tpu.memory_space<semaphore_mem>>) src(%dma_wait3A_47 : memref<640xf32, #tpu.memory_space<vmem_shared>>) dst(%dma_wait3A : memref<640xf32, #tpu.memory_space<hbm>>)
        tpu.yield
      }) : () -> ()
    } else {
    }
    %scan3A_35 = arith.constant 0 : i32
    %scan3A_36 = arith.constant 0 : i32
    %scan3A_37 = arith.constant 64 : i32
    %scan3A_38 = arith.addi %scan3A_36, %scan3A_37 : i32
    %scan3A_39 = arith.constant 1 : i32
    scf.for %scan3A_41 = %scan3A_36 to %scan3A_38 step %scan3A_39  : i32 {
      %mul3A_42 = arith.constant 2 : i32
      %mul3A_43 = arith.muli %mul3A_42, %scan3A_41 : i32
      %add3A_44 = arith.addi %mul3A_43, %arg0 : i32
      %mul3A_45 = arith.constant 80 : i32
      %mul3A_46 = arith.muli %add3A_44, %mul3A_45 : i32
      %scan3A_47 = arith.constant 0 : i32
      %scan3A_48 = arith.constant 0 : i32
      %scan3A_49 = arith.constant 625 : i32
      %scan3A_50 = arith.addi %scan3A_48, %scan3A_49 : i32
      %scan3A_51 = arith.constant 1 : i32
      scf.for %scan3A_111 = %scan3A_48 to %scan3A_50 step %scan3A_51  : i32 {
        %mul3A_112 = arith.constant 16 : i32
        %mul3A_113 = arith.muli %scan3A_111, %mul3A_112 : i32
        %get3A = arith.index_cast %mul3A_113 : i32 to index
        %get3A_114 = tpu.vector_load %arg6[%get3A] {strides = array<i32>} : memref<10000xi32, #tpu.memory_space<vmem>>, vector<16xi32>,
        %get3A_115 = vector.shape_cast %get3A_114 : vector<16xi32> to vector<16xi32>
        %mul3A_116 = arith.constant 16 : i32
        %mul3A_117 = arith.muli %scan3A_111, %mul3A_116 : i32
        %get3A_118 = arith.index_cast %mul3A_117 : i32 to index
        %get3A_119 = tpu.vector_load %arg7[%get3A_118] {strides = array<i32>} : memref<10000xi32, #tpu.memory_space<vmem>>, vector<16xi32>,
        %get3A_120 = vector.shape_cast %get3A_119 : vector<16xi32> to vector<16xi32>
        %ge3A = vector.broadcast %mul3A_46 : i32 to vector<16xi32>
        %ge3A_121 = arith.cmpi sge, %get3A_115, %ge3A : vector<16xi32>
        %add3A_122 = arith.constant 80 : i32
        %add3A_123 = arith.addi %mul3A_46, %add3A_122 : i32
        %lt3A = vector.broadcast %add3A_123 : i32 to vector<16xi32>
        %lt3A_124 = arith.cmpi slt, %get3A_115, %lt3A : vector<16xi32>
        %and3A = arith.andi %ge3A_121, %lt3A_124 : vector<16xi1>
        %sub3A = vector.broadcast %mul3A_46 : i32 to vector<16xi32>
        %sub3A_125 = arith.subi %get3A_115, %sub3A : vector<16xi32>
        %mul3A_126 = arith.constant 10240 : i32
        %mul3A_127 = vector.broadcast %mul3A_126 : i32 to vector<16xi32>
        %mul3A_128 = arith.muli %sub3A_125, %mul3A_127 : vector<16xi32>
        %add3A_129 = arith.addi %mul3A_128, %get3A_120 : vector<16xi32>
        %add3A_130 = arith.constant 819200 : i32
        %add3A_131 = vector.broadcast %add3A_130 : i32 to vector<16xi32>
        %add3A_132 = arith.addi %add3A_131, %get3A_120 : vector<16xi32>
        %select_n3A = arith.select %and3A, %add3A_129, %add3A_132 : vector<16xi1>, vector<16xi32>
        %mul3A_133 = arith.constant 16 : i32
        %mul3A_134 = arith.muli %scan3A_111, %mul3A_133 : i32
        %swap3A = arith.index_cast %mul3A_134 : i32 to index
        %swap3A_135 = tpu.vector_load %arg8[%swap3A] {strides = array<i32>} : memref<10000xi32, #tpu.memory_space<vmem>>, vector<16xi32>,
        %swap3A_136 = vector.shape_cast %swap3A_135 : vector<16xi32> to vector<16xi32>
        %swap3A_137 = vector.shape_cast %select_n3A : vector<16xi32> to vector<16xi32>
        tpu.vector_store %arg8[%swap3A], %swap3A_137 {strides = array<i32>} : memref<10000xi32, #tpu.memory_space<vmem>>, vector<16xi32>,
      }
      %scan3A_52 = arith.constant 625 : i32
      "tpu.region"() ({
        %run_scoped3A = tpu.sem_alloc : memref<!tpu.dma_semaphore, #tpu.memory_space<semaphore_mem>>
        %dma_start3A = arith.constant 0 : i32
        %dma_start3A_111 = tpu.memref_slice %arg11[%dma_start3A] : memref<829440xf32, #tpu.memory_space<vmem_shared>> -> memref<829440xf32, #tpu.memory_space<vmem_shared>>
        tpu.enqueue_indirect_dma source(%arg9 : memref<10000xf32, #tpu.memory_space<vmem>>) target(%dma_start3A_111 : memref<829440xf32, #tpu.memory_space<vmem_shared>>) offsets(%arg8 : memref<10000xi32, #tpu.memory_space<vmem>>) semaphore(%run_scoped3A : memref<!tpu.dma_semaphore, #tpu.memory_space<semaphore_mem>>) {add = true}
        %dma_wait3A = arith.constant 0 : i32
        %dma_wait3A_112 = tpu.memref_slice %arg11[%dma_wait3A] : memref<829440xf32, #tpu.memory_space<vmem_shared>> -> memref<829440xf32, #tpu.memory_space<vmem_shared>>
        tpu.wait_indirect_dma semaphore(%run_scoped3A : memref<!tpu.dma_semaphore, #tpu.memory_space<semaphore_mem>>) src(%arg9 : memref<10000xf32, #tpu.memory_space<vmem>>) dst(%dma_wait3A_112 : memref<829440xf32, #tpu.memory_space<vmem_shared>>)
        tpu.yield
      }) : () -> ()
      %barrier3A_53 = arith.constant 0 : index
      tpu.barrier barrier_id(%barrier3A_53)
      %mul3A_54 = arith.constant 5 : i32
      %mul3A_55 = arith.muli %arg1, %mul3A_54 : i32
      %add3A_56 = arith.constant 0 : i32
      %add3A_57 = arith.addi %mul3A_55, %add3A_56 : i32
      %mul3A_58 = arith.constant 10240 : i32
      %mul3A_59 = arith.muli %add3A_57, %mul3A_58 : i32
      %mul3A_60 = arith.constant 5 : i32
      %mul3A_61 = arith.muli %arg1, %mul3A_60 : i32
      %add3A_62 = arith.addi %mul3A_46, %mul3A_61 : i32
      %add3A_63 = arith.constant 0 : i32
      %add3A_64 = arith.addi %add3A_62, %add3A_63 : i32
      "tpu.region"() ({
        %run_scoped3A = tpu.sem_alloc : memref<!tpu.dma_semaphore, #tpu.memory_space<semaphore_mem>>
        %dma_start3A = arith.constant 0 : i32
        %dma_start3A_111 = tpu.memref_slice %arg4[%add3A_64, %dma_start3A] : memref<10240x10240xf32, #tpu.memory_space<hbm>> -> memref<1x10240xf32, #tpu.memory_space<hbm>>
        %dma_start3A_112 = tpu.memref_squeeze %dma_start3A_111 : memref<1x10240xf32, #tpu.memory_space<hbm>> -> memref<10240xf32, #tpu.memory_space<hbm>>
        %dma_start3A_113 = tpu.memref_slice %arg11[%mul3A_59] : memref<829440xf32, #tpu.memory_space<vmem_shared>> -> memref<10240xf32, #tpu.memory_space<vmem_shared>>
        tpu.enqueue_dma source(%dma_start3A_113 : memref<10240xf32, #tpu.memory_space<vmem_shared>>) target(%dma_start3A_112 : memref<10240xf32, #tpu.memory_space<hbm>>) target_semaphore(%run_scoped3A : memref<!tpu.dma_semaphore, #tpu.memory_space<semaphore_mem>>)
        %dma_wait3A = arith.constant 0 : i32
        %dma_wait3A_114 = tpu.memref_slice %arg4[%add3A_64, %dma_wait3A] : memref<10240x10240xf32, #tpu.memory_space<hbm>> -> memref<1x10240xf32, #tpu.memory_space<hbm>>
        %dma_wait3A_115 = tpu.memref_squeeze %dma_wait3A_114 : memref<1x10240xf32, #tpu.memory_space<hbm>> -> memref<10240xf32, #tpu.memory_space<hbm>>
        %dma_wait3A_116 = tpu.memref_slice %arg11[%mul3A_59] : memref<829440xf32, #tpu.memory_space<vmem_shared>> -> memref<10240xf32, #tpu.memory_space<vmem_shared>>
        tpu.wait_dma2 semaphore(%run_scoped3A : memref<!tpu.dma_semaphore, #tpu.memory_space<semaphore_mem>>) src(%dma_wait3A_116 : memref<10240xf32, #tpu.memory_space<vmem_shared>>) dst(%dma_wait3A_115 : memref<10240xf32, #tpu.memory_space<hbm>>)
        tpu.yield
      }) : () -> ()
      %mul3A_65 = arith.constant 5 : i32
      %mul3A_66 = arith.muli %arg1, %mul3A_65 : i32
      %add3A_67 = arith.constant 1 : i32
      %add3A_68 = arith.addi %mul3A_66, %add3A_67 : i32
      %mul3A_69 = arith.constant 10240 : i32
      %mul3A_70 = arith.muli %add3A_68, %mul3A_69 : i32
      %mul3A_71 = arith.constant 5 : i32
      %mul3A_72 = arith.muli %arg1, %mul3A_71 : i32
      %add3A_73 = arith.addi %mul3A_46, %mul3A_72 : i32
      %add3A_74 = arith.constant 1 : i32
      %add3A_75 = arith.addi %add3A_73, %add3A_74 : i32
      "tpu.region"() ({
        %run_scoped3A = tpu.sem_alloc : memref<!tpu.dma_semaphore, #tpu.memory_space<semaphore_mem>>
        %dma_start3A = arith.constant 0 : i32
        %dma_start3A_111 = tpu.memref_slice %arg4[%add3A_75, %dma_start3A] : memref<10240x10240xf32, #tpu.memory_space<hbm>> -> memref<1x10240xf32, #tpu.memory_space<hbm>>
        %dma_start3A_112 = tpu.memref_squeeze %dma_start3A_111 : memref<1x10240xf32, #tpu.memory_space<hbm>> -> memref<10240xf32, #tpu.memory_space<hbm>>
        %dma_start3A_113 = tpu.memref_slice %arg11[%mul3A_70] : memref<829440xf32, #tpu.memory_space<vmem_shared>> -> memref<10240xf32, #tpu.memory_space<vmem_shared>>
        tpu.enqueue_dma source(%dma_start3A_113 : memref<10240xf32, #tpu.memory_space<vmem_shared>>) target(%dma_start3A_112 : memref<10240xf32, #tpu.memory_space<hbm>>) target_semaphore(%run_scoped3A : memref<!tpu.dma_semaphore, #tpu.memory_space<semaphore_mem>>)
        %dma_wait3A = arith.constant 0 : i32
        %dma_wait3A_114 = tpu.memref_slice %arg4[%add3A_75, %dma_wait3A] : memref<10240x10240xf32, #tpu.memory_space<hbm>> -> memref<1x10240xf32, #tpu.memory_space<hbm>>
        %dma_wait3A_115 = tpu.memref_squeeze %dma_wait3A_114 : memref<1x10240xf32, #tpu.memory_space<hbm>> -> memref<10240xf32, #tpu.memory_space<hbm>>
        %dma_wait3A_116 = tpu.memref_slice %arg11[%mul3A_70] : memref<829440xf32, #tpu.memory_space<vmem_shared>> -> memref<10240xf32, #tpu.memory_space<vmem_shared>>
        tpu.wait_dma2 semaphore(%run_scoped3A : memref<!tpu.dma_semaphore, #tpu.memory_space<semaphore_mem>>) src(%dma_wait3A_116 : memref<10240xf32, #tpu.memory_space<vmem_shared>>) dst(%dma_wait3A_115 : memref<10240xf32, #tpu.memory_space<hbm>>)
        tpu.yield
      }) : () -> ()
      %mul3A_76 = arith.constant 5 : i32
      %mul3A_77 = arith.muli %arg1, %mul3A_76 : i32
      %add3A_78 = arith.constant 2 : i32
      %add3A_79 = arith.addi %mul3A_77, %add3A_78 : i32
      %mul3A_80 = arith.constant 10240 : i32
      %mul3A_81 = arith.muli %add3A_79, %mul3A_80 : i32
      %mul3A_82 = arith.constant 5 : i32
      %mul3A_83 = arith.muli %arg1, %mul3A_82 : i32
      %add3A_84 = arith.addi %mul3A_46, %mul3A_83 : i32
      %add3A_85 = arith.constant 2 : i32
      %add3A_86 = arith.addi %add3A_84, %add3A_85 : i32
      "tpu.region"() ({
        %run_scoped3A = tpu.sem_alloc : memref<!tpu.dma_semaphore, #tpu.memory_space<semaphore_mem>>
        %dma_start3A = arith.constant 0 : i32
        %dma_start3A_111 = tpu.memref_slice %arg4[%add3A_86, %dma_start3A] : memref<10240x10240xf32, #tpu.memory_space<hbm>> -> memref<1x10240xf32, #tpu.memory_space<hbm>>
        %dma_start3A_112 = tpu.memref_squeeze %dma_start3A_111 : memref<1x10240xf32, #tpu.memory_space<hbm>> -> memref<10240xf32, #tpu.memory_space<hbm>>
        %dma_start3A_113 = tpu.memref_slice %arg11[%mul3A_81] : memref<829440xf32, #tpu.memory_space<vmem_shared>> -> memref<10240xf32, #tpu.memory_space<vmem_shared>>
        tpu.enqueue_dma source(%dma_start3A_113 : memref<10240xf32, #tpu.memory_space<vmem_shared>>) target(%dma_start3A_112 : memref<10240xf32, #tpu.memory_space<hbm>>) target_semaphore(%run_scoped3A : memref<!tpu.dma_semaphore, #tpu.memory_space<semaphore_mem>>)
        %dma_wait3A = arith.constant 0 : i32
        %dma_wait3A_114 = tpu.memref_slice %arg4[%add3A_86, %dma_wait3A] : memref<10240x10240xf32, #tpu.memory_space<hbm>> -> memref<1x10240xf32, #tpu.memory_space<hbm>>
        %dma_wait3A_115 = tpu.memref_squeeze %dma_wait3A_114 : memref<1x10240xf32, #tpu.memory_space<hbm>> -> memref<10240xf32, #tpu.memory_space<hbm>>
        %dma_wait3A_116 = tpu.memref_slice %arg11[%mul3A_81] : memref<829440xf32, #tpu.memory_space<vmem_shared>> -> memref<10240xf32, #tpu.memory_space<vmem_shared>>
        tpu.wait_dma2 semaphore(%run_scoped3A : memref<!tpu.dma_semaphore, #tpu.memory_space<semaphore_mem>>) src(%dma_wait3A_116 : memref<10240xf32, #tpu.memory_space<vmem_shared>>) dst(%dma_wait3A_115 : memref<10240xf32, #tpu.memory_space<hbm>>)
        tpu.yield
      }) : () -> ()
      %mul3A_87 = arith.constant 5 : i32
      %mul3A_88 = arith.muli %arg1, %mul3A_87 : i32
      %add3A_89 = arith.constant 3 : i32
      %add3A_90 = arith.addi %mul3A_88, %add3A_89 : i32
      %mul3A_91 = arith.constant 10240 : i32
      %mul3A_92 = arith.muli %add3A_90, %mul3A_91 : i32
      %mul3A_93 = arith.constant 5 : i32
      %mul3A_94 = arith.muli %arg1, %mul3A_93 : i32
      %add3A_95 = arith.addi %mul3A_46, %mul3A_94 : i32
      %add3A_96 = arith.constant 3 : i32
      %add3A_97 = arith.addi %add3A_95, %add3A_96 : i32
      "tpu.region"() ({
        %run_scoped3A = tpu.sem_alloc : memref<!tpu.dma_semaphore, #tpu.memory_space<semaphore_mem>>
        %dma_start3A = arith.constant 0 : i32
        %dma_start3A_111 = tpu.memref_slice %arg4[%add3A_97, %dma_start3A] : memref<10240x10240xf32, #tpu.memory_space<hbm>> -> memref<1x10240xf32, #tpu.memory_space<hbm>>
        %dma_start3A_112 = tpu.memref_squeeze %dma_start3A_111 : memref<1x10240xf32, #tpu.memory_space<hbm>> -> memref<10240xf32, #tpu.memory_space<hbm>>
        %dma_start3A_113 = tpu.memref_slice %arg11[%mul3A_92] : memref<829440xf32, #tpu.memory_space<vmem_shared>> -> memref<10240xf32, #tpu.memory_space<vmem_shared>>
        tpu.enqueue_dma source(%dma_start3A_113 : memref<10240xf32, #tpu.memory_space<vmem_shared>>) target(%dma_start3A_112 : memref<10240xf32, #tpu.memory_space<hbm>>) target_semaphore(%run_scoped3A : memref<!tpu.dma_semaphore, #tpu.memory_space<semaphore_mem>>)
        %dma_wait3A = arith.constant 0 : i32
        %dma_wait3A_114 = tpu.memref_slice %arg4[%add3A_97, %dma_wait3A] : memref<10240x10240xf32, #tpu.memory_space<hbm>> -> memref<1x10240xf32, #tpu.memory_space<hbm>>
        %dma_wait3A_115 = tpu.memref_squeeze %dma_wait3A_114 : memref<1x10240xf32, #tpu.memory_space<hbm>> -> memref<10240xf32, #tpu.memory_space<hbm>>
        %dma_wait3A_116 = tpu.memref_slice %arg11[%mul3A_92] : memref<829440xf32, #tpu.memory_space<vmem_shared>> -> memref<10240xf32, #tpu.memory_space<vmem_shared>>
        tpu.wait_dma2 semaphore(%run_scoped3A : memref<!tpu.dma_semaphore, #tpu.memory_space<semaphore_mem>>) src(%dma_wait3A_116 : memref<10240xf32, #tpu.memory_space<vmem_shared>>) dst(%dma_wait3A_115 : memref<10240xf32, #tpu.memory_space<hbm>>)
        tpu.yield
      }) : () -> ()
      %mul3A_98 = arith.constant 5 : i32
      %mul3A_99 = arith.muli %arg1, %mul3A_98 : i32
      %add3A_100 = arith.constant 4 : i32
      %add3A_101 = arith.addi %mul3A_99, %add3A_100 : i32
      %mul3A_102 = arith.constant 10240 : i32
      %mul3A_103 = arith.muli %add3A_101, %mul3A_102 : i32
      %mul3A_104 = arith.constant 5 : i32
      %mul3A_105 = arith.muli %arg1, %mul3A_104 : i32
      %add3A_106 = arith.addi %mul3A_46, %mul3A_105 : i32
      %add3A_107 = arith.constant 4 : i32
      %add3A_108 = arith.addi %add3A_106, %add3A_107 : i32
      "tpu.region"() ({
        %run_scoped3A = tpu.sem_alloc : memref<!tpu.dma_semaphore, #tpu.memory_space<semaphore_mem>>
        %dma_start3A = arith.constant 0 : i32
        %dma_start3A_111 = tpu.memref_slice %arg4[%add3A_108, %dma_start3A] : memref<10240x10240xf32, #tpu.memory_space<hbm>> -> memref<1x10240xf32, #tpu.memory_space<hbm>>
        %dma_start3A_112 = tpu.memref_squeeze %dma_start3A_111 : memref<1x10240xf32, #tpu.memory_space<hbm>> -> memref<10240xf32, #tpu.memory_space<hbm>>
        %dma_start3A_113 = tpu.memref_slice %arg11[%mul3A_103] : memref<829440xf32, #tpu.memory_space<vmem_shared>> -> memref<10240xf32, #tpu.memory_space<vmem_shared>>
        tpu.enqueue_dma source(%dma_start3A_113 : memref<10240xf32, #tpu.memory_space<vmem_shared>>) target(%dma_start3A_112 : memref<10240xf32, #tpu.memory_space<hbm>>) target_semaphore(%run_scoped3A : memref<!tpu.dma_semaphore, #tpu.memory_space<semaphore_mem>>)
        %dma_wait3A = arith.constant 0 : i32
        %dma_wait3A_114 = tpu.memref_slice %arg4[%add3A_108, %dma_wait3A] : memref<10240x10240xf32, #tpu.memory_space<hbm>> -> memref<1x10240xf32, #tpu.memory_space<hbm>>
        %dma_wait3A_115 = tpu.memref_squeeze %dma_wait3A_114 : memref<1x10240xf32, #tpu.memory_space<hbm>> -> memref<10240xf32, #tpu.memory_space<hbm>>
        %dma_wait3A_116 = tpu.memref_slice %arg11[%mul3A_103] : memref<829440xf32, #tpu.memory_space<vmem_shared>> -> memref<10240xf32, #tpu.memory_space<vmem_shared>>
        tpu.wait_dma2 semaphore(%run_scoped3A : memref<!tpu.dma_semaphore, #tpu.memory_space<semaphore_mem>>) src(%dma_wait3A_116 : memref<10240xf32, #tpu.memory_space<vmem_shared>>) dst(%dma_wait3A_115 : memref<10240xf32, #tpu.memory_space<hbm>>)
        tpu.yield
      }) : () -> ()
      %barrier3A_109 = arith.constant 0 : index
      tpu.barrier barrier_id(%barrier3A_109)
      "tpu.region"() ({
        %run_scoped3A = tpu.sem_alloc : memref<!tpu.dma_semaphore, #tpu.memory_space<semaphore_mem>>
        %dma_start3A = arith.constant 0 : i32
        %dma_start3A_111 = tpu.memref_slice %arg11[%dma_start3A] : memref<829440xf32, #tpu.memory_space<vmem_shared>> -> memref<829440xf32, #tpu.memory_space<vmem_shared>>
        tpu.enqueue_indirect_dma source(%arg10 : memref<10000xf32, #tpu.memory_space<vmem>>) target(%dma_start3A_111 : memref<829440xf32, #tpu.memory_space<vmem_shared>>) offsets(%arg8 : memref<10000xi32, #tpu.memory_space<vmem>>) semaphore(%run_scoped3A : memref<!tpu.dma_semaphore, #tpu.memory_space<semaphore_mem>>)
        %dma_wait3A = arith.constant 0 : i32
        %dma_wait3A_112 = tpu.memref_slice %arg11[%dma_wait3A] : memref<829440xf32, #tpu.memory_space<vmem_shared>> -> memref<829440xf32, #tpu.memory_space<vmem_shared>>
        tpu.wait_indirect_dma semaphore(%run_scoped3A : memref<!tpu.dma_semaphore, #tpu.memory_space<semaphore_mem>>) src(%arg10 : memref<10000xf32, #tpu.memory_space<vmem>>) dst(%dma_wait3A_112 : memref<829440xf32, #tpu.memory_space<vmem_shared>>)
        tpu.yield
      }) : () -> ()
      %barrier3A_110 = arith.constant 0 : index
      tpu.barrier barrier_id(%barrier3A_110)
    }
    %scan3A_40 = arith.constant 64 : i32
    return
  }
}

</mosaic_0001>

<sc_bundles>
// kernel: _sc_build.3.cloned.1.call-start
scs
__scs_entry_jumppad:
0x0: {  	(pc) =	sbr.rel $0x88, $3  }
0x1: {  	(tag) =	ssettag $0x0;
	lr =	simm.s32 $0x1  }
0x2: {  	[smem:$0x3F9F] =	sst lr;
	_ =	strace $0xD0000000  }
0x3: {  	_ = 	snop  }
0x4: {  	_ = 	snop  }
0x5: {  	_ = 	snop  }
0x6: {  	_ = 	snop  }
0x7: {  	_ = 	snop  }
__scs_overlays_trampoline_lowered:
0x8: {  	[smem:$0x3FAE] =	sst s0  }
0x9: {  	[smem:$0x3FAF] =	sst s1  }
0xa: {  	[smem:$0x3FB0] =	sst s2  }
0xb: {  	[smem:$0x3FB1] =	sst s3  }
0xc: {  	[smem:$0x3FB2] =	sst s4  }
0xd: {  	[smem:$0x3FB3] =	sst s5  }
0xe: {  	[smem:$0x3FB4] =	sst s6  }
0xf: {  	[smem:$0x3FB5] =	sst s7  }
0x10: {  	[smem:$0x3FB6] =	sst s8  }
0x11: {  	[smem:$0x3FB7] =	sst s9;
	s0 =	simm.s32 @!p0 $0x0  }
0x12: {  	s1 =	sld [smem:$0x3F9D];
	s0 =	simm.s32 @p0 $0x1  }
0x13: {  	[smem:$0x3FB8] =	sst s0;
	s0 =	simm.s32 @!p1 $0x0  }
0x14: {  	s2 =	sld [smem:$0x3F9C];
	s0 =	simm.s32 @p1 $0x1  }
0x15: {  	[smem:$0x3FB9] =	sst s0;
	s0 =	simm.s32 @!p2 $0x0  }
0x16: {  	s3 =	sld [smem:$0x3FDB];
	s0 =	simm.s32 @p2 $0x1  }
0x17: {  	s4 =	simm.s32 $0x1BF5;
	[smem:$0x3FBB] =	sst s0  }
0x18: {  	s0 =	sld [smem:$0x3F9E];
	_ =	swait.ge [sflag:s4], $0x0  }
0x19: {  	s7 =	sld [smem:$0x3F9F]  }
0x1a: {  	s8 =	sadd.s32 $0xFFFFE003, lr  }
0x1b: {  	s9 =	sadd.s32 $0xFFFFFEF7, lr;
	s5 =	simm.s32 $0xFFFFFFFF;
	p2 =	slt.u32 s8, $0xFFFFF086  }
0x1c: {  	p1 =	slt.u32 s9, $0xF7A;
	s5 =	simm.s32 @!p2 $0x0  }
0x1d: {  	s5 =	simm.s32 @p1 $0x1;
	p0 =	seq.s32 s7, s2  }
0x1e: {  	s7 =	smul.u32 @!p0 $0xF7A, s2;
	p2 =	seq.s32 @!p0 s5, $0x0  }
0x1f: {  	s9 =	smul.u32 $0xF7A, s1;
	s8 =	simm.s32 @!p0 $0x1BF5;
	p2 =	por !p2, p0  }
0x20: {  	[sflag:s8] =	ssyncset.s32 @!p0 $0xFFFFF086;
	s6 =	sadd.s32 @!p0 s3, s7;
	s7 =	simm.s32 @!p0 $0x108  }
0x21: {  	s3 =	sadd.s32 s3, s9;
	s6 =	sadd.s32 @!p0 $0x88, s6;
	s7 =	simm.s32 @p2 $0x1082  }
0x22: {  	[simem:s7], [sflag:s8] =	dma.local @!p0 [hbm:s6], $0xF7A  }
0x23: {  	s9 =	sor.u32 $0xD0000000, s2;
	s6 =	simm.s32 $0x108;
	_ =	swait.ge @!p0 [sflag:s8], $0x0  }
0x24: {  	s3 =	sadd.s32 $0x88, s3;
	s6 =	simm.s32 @!p1 $0x1082;
	[sflag:s4] =	ssyncset.s32 $0xFFFFF086  }
0x25: {  	[simem:s6], [sflag:s4] =	dma.local [hbm:s3], $0xF7A  }
0x26: {  	[smem:$0x3F9F] =	sst s1;
	(tag) =	ssettag s2;
	_ =	strace s9  }
0x27: {  	s1 =	sld [smem:$0x3FAF]  }
0x28: {  	s2 =	sld [smem:$0x3FB0]  }
0x29: {  	s4 =	sld [smem:$0x3FB2]  }
0x2a: {  	p0 =	seq.s32 s5, $0x0;
	s5 =	sld [smem:$0x3FB3]  }
0x2b: {  	s6 =	sld [smem:$0x3FB4]  }
0x2c: {  	s7 =	sld [smem:$0x3FB5]  }
0x2d: {  	s3 =	simm.s32 $0x108;
	s8 =	sld [smem:$0x3FB6]  }
0x2e: {  	s3 =	simm.s32 @!p0 $0x1082;
	s9 =	sld [smem:$0x3FB7]  }
0x2f: {  	lr =	sadd.s32 s0, s3;
	s0 =	sld [smem:$0x3FAE]  }
0x30: {  	s3 =	sld [smem:$0x3FB1]  }
0x31: {  	[smem:$0x3FBA] =	sst s10  }
0x32: {  	s10 =	sld [smem:$0x3FB8];
	_ =	sdelay $0x3  }
0x33: {  	p0 =	seq.s32 s10, $0x1;
	s10 =	sld [smem:$0x3FBA];
	_ =	sdelay $0x3  }
0x34: {  	[smem:$0x3FBA] =	sst s10  }
0x35: {  	s10 =	sld [smem:$0x3FB9];
	_ =	sdelay $0x3  }
0x36: {  	p1 =	seq.s32 s10, $0x1;
	s10 =	sld [smem:$0x3FBA];
	_ =	sdelay $0x3  }
0x37: {  	[smem:$0x3FBA] =	sst s10  }
0x38: {  	s10 =	sld [smem:$0x3FBB]  }
0x39: {  	_ = 	snop;
	(pc) =	sbr.ind lr, $3  }
0x3a: {  	_ = 	snop  }
0x3b: {  	_ = 	snop  }
0x3c: {  	p2 =	seq.s32 s10, $0x1;
	s10 =	sld [smem:$0x3FBA]  }
0x3d: {  	_ =	shalt  }
0x3e: {  	_ =	shalt  }
0x3f: {  	_ =	shalt  }
0x40: {  	_ =	shalt  }
0x41: {  	_ =	shalt  }
0x42: {  	_ =	shalt  }
0x43: {  	_ =	shalt  }
0x44: {  	_ =	shalt  }
0x45: {  	_ =	shalt  }
0x46: {  	_ =	shalt  }
0x47: {  	_ =	shalt  }
0x48: {  	_ =	shalt  }
0x49: {  	_ =	shalt  }
0x4a: {  	_ =	shalt  }
0x4b: {  	_ =	shalt  }
0x4c: {  	_ =	shalt  }
0x4d: {  	_ =	shalt  }
0x4e: {  	_ =	shalt  }
0x4f: {  	_ =	shalt  }
0x50: {  	_ =	shalt  }
0x51: {  	_ =	shalt  }
0x52: {  	_ =	shalt  }
0x53: {  	_ =	shalt  }
0x54: {  	_ =	shalt  }
0x55: {  	_ =	shalt  }
0x56: {  	_ =	shalt  }
0x57: {  	_ =	shalt  }
0x58: {  	_ =	shalt  }
0x59: {  	_ =	shalt  }
0x5a: {  	_ =	shalt  }
0x5b: {  	_ =	shalt  }
0x5c: {  	_ =	shalt  }
0x5d: {  	_ =	shalt  }
0x5e: {  	_ =	shalt  }
0x5f: {  	_ =	shalt  }
0x60: {  	_ =	shalt  }
0x61: {  	_ =	shalt  }
0x62: {  	_ =	shalt  }
0x63: {  	_ =	shalt  }
0x64: {  	_ =	shalt  }
0x65: {  	_ =	shalt  }
0x66: {  	_ =	shalt  }
0x67: {  	_ =	shalt  }
0x68: {  	_ =	shalt  }
0x69: {  	_ =	shalt  }
0x6a: {  	_ =	shalt  }
0x6b: {  	_ =	shalt  }
0x6c: {  	_ =	shalt  }
0x6d: {  	_ =	shalt  }
0x6e: {  	_ =	shalt  }
0x6f: {  	_ =	shalt  }
0x70: {  	_ =	shalt  }
0x71: {  	_ =	shalt  }
0x72: {  	_ =	shalt  }
0x73: {  	_ =	shalt  }
0x74: {  	_ =	shalt  }
0x75: {  	_ =	shalt  }
0x76: {  	_ =	shalt  }
0x77: {  	_ =	shalt  }
0x78: {  	_ =	shalt  }
0x79: {  	_ =	shalt  }
0x7a: {  	_ =	shalt  }
0x7b: {  	_ =	shalt  }
0x7c: {  	_ =	shalt  }
0x7d: {  	_ =	shalt  }
0x7e: {  	_ =	shalt  }
0x7f: {  	_ =	shalt  }
0x80: {  	_ =	shalt  }
0x81: {  	_ =	shalt  }
0x82: {  	_ =	shalt  }
0x83: {  	_ =	shalt  }
0x84: {  	_ =	shalt  }
0x85: {  	_ =	shalt  }
0x86: {  	_ =	shalt  }
0x87: {  	_ =	shalt  }
.Lfunc_end0:
.L_simem_size_0:
called_computation_lowered:
.L_overlay_start_0:
0x88: {  	s2 =	sld [smem:$0x3FD9]  }
0x89: {  	s3 =	sld [smem:$0x3FFE];
	_ =	sdelay $0x1  }
0x8a: {  	s1 =	srdreg.scid  }
0x8b: {  	s0 =	sand.u32 $0x1, s1  }
0x8c: {  	s15 =	sshll.u32 s0, $0xA;
	s2 =	sadd.s32 s3, s2  }
0x8d: {  	s2 =	sadd.s32 s2, s15  }
0x8e: {  	[smem:$0x3FC6] =	sst s2  }
0x8f: {  	_ = 	snop  }
0x90: {  	s2 =	sld [smem:$0x3FD0];
	_ =	sdelay $0x1  }
0x91: {  	s16 =	sld [smem:$0x3FC9]  }
0x92: {  	s5 =	simm.s32 $0xA;
	s6 =	simm.s32 $0x10;
	s4 =	sld [smem:$0x3FC8]  }
0x93: {  	[smem:s6], [sflag:s5] =	dma.local [hbm:s2], $0x1  }
0x94: {  	_ =	swait.eq [sflag:s5], $0x1  }
0x95: {  	[sflag:s5] =	ssyncset.done $0x0  }
0x96: {  	s17 =	sld [smem:$0x10];
	[sflag:s5] =	ssyncadd.s32 $0xFFFFFFFF  }
0x97: {  	s18 =	sld [smem:$0x11];
	(tm) =	ssettm $0x1  }
0x98: {  	s19 =	sld [smem:$0x3FFB];
	_ =	sdelay $0x3  }
0x99: {  	_ =	strace s19  }
0x9a: {  	s6 =	sld [smem:$0x3FFC];
	_ =	sdelay $0x3  }
0x9b: {  	_ =	strace s6  }
0x9c: {  	s6 =	sld [smem:$0x3FFD];
	_ =	sdelay $0x3  }
0x9d: {  	_ =	strace s6  }
0x9e: {  	_ =	strace $0x8FFFFFFF  }
0x9f: {  	s20 =	sld [smem:$0x3FDB];
	_ =	sdelay $0x1  }
0xa0: {  	s7 =	simm.s32 $_scs_section_size  }
0xa1: {  	s8 =	simm.s32 $_size__tile_overlayer_lowered;
	s9 =	simm.s32 $_tile_overlayer_lowered  }
0xa2: {  	s23 =	simm.s32 $0x1BFF;
	s22 =	sshll.u32 s9, $0x1;
	s6 =	sadd.s32 s7, s20  }
0xa3: {  	s10 =	simm.s32 $0x0;
	s21 =	sshll.u32 s8, $0x1;
	s8 =	sadd.s32 s22, s6  }
0xa4: {  	[timem:s10], [sflag:s23] =	dma.local [hbm:s8], s21  }
0xa5: {  	_ =	swait.ge [sflag:s23], s21  }
0xa6: {  	s7 =	ssub.s32 $0x0, s21;
	[sflag:s23] =	ssyncset.done $0x0  }
0xa7: {  	[sflag:s23] =	ssyncadd.s32 s7;
	_ =	sdelay $0x1  }
0xa8: {  	s24 =	simm.s32 $0x1B8B  }
0xa9: {  	_ =	swait.ge [sflag:s24], $0x1  }
0xaa: {  	[sflag:s24] =	ssyncset.done $0x0  }
0xab: {  	s25 =	simm.s32 $0x1B8E;
	[sflag:s24] =	ssyncadd.s32 $0xFFFFFFFF  }
0xac: {  	s26 =	simm.s32 $execute0_lowered;
	[smem:$0x3FD2] =	sst s25  }
0xad: {  	s7 =	sshll.u32 s26, $0x1;
	_ =	strace $0x80000046;
	[dreg:$0x1] =	wrdreg $0xFFFFFFFF  }
0xae: {  	s28 =	simm.s32 $_size_execute0_lowered;
	s6 =	sadd.s32 s6, s7;
	[dreg:$0x0] =	wrdreg $0x0  }
0xaf: {  	s7 =	sshll.u32 s28, $0x1;
	[dreg:$0x2] =	wrdreg s6  }
0xb0: {  	[dreg:$0x3] =	wrdreg s7  }
0xb1: {  	[dreg:$0x4] =	wrdreg $0xC0  }
0xb2: {  	_ =	task [dreg:s10], $0x5FFFF  }
0xb3: {  	[dreg:$0x1] =	wrdreg $0xFFFFFFFF  }
0xb4: {  	[dreg:$0x0] =	wrdreg $0x60  }
0xb5: {  	[dreg:$0x2] =	wrdreg s16  }
0xb6: {  	[dreg:$0x3] =	wrdreg s4  }
0xb7: {  	[dreg:$0x4] =	wrdreg s17  }
0xb8: {  	[dreg:$0x5] =	wrdreg s18  }
0xb9: {  	[dreg:$0x6] =	wrdreg $0xC5800  }
0xba: {  	[dreg:$0x7] =	wrdreg $0x190000  }
0xbb: {  	[dreg:$0x8] =	wrdreg $0x9  }
0xbc: {  	_ =	task.clear_ibuf [dreg:s10], $0x9FFFF;
	_ =	strace $0x90000046  }
0xbd: {  	s29 =	simm.s32 $0x9;
	_ =	strace $0x80000048  }
0xbe: {  	_ =	swait.ge [sflag:s29], $0x1  }
0xbf: {  	[sflag:s29] =	ssyncadd.s32 $0xFFFFFFFF  }
0xc0: {  	_ =	strace $0x90000048  }
0xc1: {  	_ =	sfence  }
0xc2: {  	s30 =	sld [smem:$0x0];
	_ =	sdelay $0x2  }
0xc3: {  	s31 =	sshll.u32 s1, $0xD;
	s1 =	sshrl.u32 s1, $0x2  }
0xc4: {  	s3 =	sand.u32 $0x4000, s31;
	s1 =	sadd.s32 s1, s30  }
0xc5: {  	s0 =	sor.u32 s3, s0;
	s1 =	sshll.u32 s1, $0x11  }
0xc6: {  	s0 =	sor.u32 s1, s0  }
0xc7: {  	s0 =	sadd.s32 $0x8F2B, s0  }
0xc8: {  	[sflag:s0] =	ssyncadd.remote.s32 $0x1  }
0xc9: {  	_ =	sfence.sel $0xFFFF  }
0xca: {  	[dreg:$0x0] =	wrdreg $0xFFFFFFFF;
	(pc) =	sbr.abs _section_cstart, $3  }
0xcb: {  	[dreg:$0x1] =	wrdreg $0xFFFFFFFF  }
0xcc: {  	_ =	task.clear_ibuf [dreg:s10], $0x2FFFF;
	_ =	strace $0x9FFFFFFF  }
0xcd: {  	(tm) =	ssettm $0x7FFFFFFF  }
tec
execute0_lowered:
.L_overlay_start_1:
0x0: {  	(tag) =	ssettag $0x1  }
0x1: {  	s0 =	rddreg [dreg:$0x0]  }
0x2: {  	s4 =	rddreg [dreg:$0x1]  }
0x3: {  	s1 =	rddreg [dreg:$0x2];
	s2 =	stileid.u32  }
0x4: {  	s5 =	rddreg [dreg:$0x3];
	s7 =	smul.u32 $0x4E2, s2  }
0x5: {  	s3 =	rddreg [dreg:$0x4];
	s9 =	smul.u32 $0x32A00, s2  }
0x6: {  	s11 =	rddreg [dreg:$0x5];
	s15 =	smul.u32 $0x280, s2  }
0x7: {  	s6 =	srdreg.scid;
	s8 =	simm.s32 $0x0;
	s18 =	smul.u32 $0x32000, s2  }
0x8: {  	s30 =	simm.s32 $0x1;
	s31 =	simm.s32 $0x4F00;
	s21 =	smul.u32 $0x3, s2  }
0x9: {  	s6 =	sand.u32 $0x1, s6;
	[smem:$0x7FF] =	sst s8;
	s29 =	smul.u32 $0x5, s2  }
0xa: {  	s13 =	ssub.s32 $0x2, s6;
	_ =	strace $0x80000047;
	p0 =	sne.s32 s6, $0x0  }
0xb: {  	s10 =	sshrl.u32 s13, $0x1;
	s0 =	sadd.s32 s0, s7;
	s14 =	sshrl.u32 s9, $0x2  }
0xc: {  	s4 =	sadd.s32 s4, s7;
	s20 =	sshrl.u32 s15, $0x3;
	s22 =	ssub.s32 $0x1, s21  }
0xd: {  	s26 =	ssub.s32 $0x2, s21;
	s12 =	sxor.u32 $0x3, s21;
	[dreg:$0x7] =	wrdreg s0  }
0xe: {  	s7 =	simm.s32 $0x80;
	s8 =	ssub.s32 s13, s10;
	[dreg:$0x8] =	wrdreg s4  }
0xf: {  	s9 =	sadd.s32 s14, s3;
	s13 =	sadd.s32 s15, s11;
	s5 =	sadd.s32 s5, s20  }
0x10: {  	s4 =	sshrl.u32 s18, $0x2;
	s15 =	sand.u32 $0x380, s15;
	s0 =	sand.u32 $0x7, s22  }
0x11: {  	s10 =	ssub.s32 $0x4, s21;
	s12 =	sand.u32 $0x7, s12;
	s16 =	sadd.s32 $0x2710, s9  }
0x12: {  	s17 =	sadd.s32 $0x4E20, s9;
	s19 =	sadd.s32 $0x7530, s9;
	[dreg:$0xc] =	wrdreg s5  }
0x13: {  	s10 =	sand.u32 $0x7, s10;
	s14 =	smax.u32 s8, $0x1;
	[dreg:$0x9] =	wrdreg s16  }
0x14: {  	s21 =	sadd.s32 $0x9C40, s9;
	s28 =	smov.u32 s9;
	[dreg:$0xa] =	wrdreg s17  }
0x15: {  	s5 =	simm.s32 $0x7680;
	s8 =	simm.s32 $0x10;
	[dreg:$0xb] =	wrdreg s19  }
0x16: {  	s16 =	sadd.s32 s4, s3;
	s17 =	sshll.u32 s0, $0x7;
	s0 =	sand.u32 $0x7, s26  }
0x17: {  	s19 =	sshll.u32 s12, $0x7;
	s20 =	sshll.u32 s10, $0x7;
	[dreg:$0xd] =	wrdreg s14  }
0x18: {  	[dreg:$0xe] =	wrdreg s21;
	s26 =	sadd.s32 $0xC350, s9;
	s10 =	simm.s32 $0x0  }
0x19: {  	s4 =	sadd.s32 $0x2800, s16;
	s23 =	sadd.s32 $0x5000, s16;
	s24 =	sadd.s32 $0x7800, s16  }
0x1a: {  	s25 =	sadd.s32 $0xA000, s16;
	s18 =	sshll.u32 s0, $0x7;
	[dreg:$0xf] =	wrdreg s26  }
0x1b: {  	s0 =	simm.s32 $0x9E00;
	s22 =	sshrl.u32 s4, $0x3;
	s23 =	sshrl.u32 s23, $0x3  }
0x1c: {  	v0 =	vimm.f32 $1.000000000e+00;
	v1 =	vimm.f32 $0.0e+00;
	s24 =	sshrl.u32 s24, $0x3;
	s25 =	sshrl.u32 s25, $0x3;
	s4 =	simm.s32 $0x2710  }
.LBB2_1:
0x1d: {  	s9 =	simm.s32 $0x0;
	s11 =	rddreg [dreg:$0x7]  }
0x1e: {  	[tilespmem:s9], [sflag:$0x1] =	stream.linear.gather [hbm4b:s11+s9], $0x2710, $0x38;
	[tilespmem:$0x19280] =	vst v63  }
0x1f: {  	_ =	swait.ge [sflag:s30], $0x2710  }
0x20: {  	[sflag:s30] =	ssyncset.done $0x0  }
0x21: {  	s12 =	simm.s32 $0x2780;
	s26 =	rddreg [dreg:$0x8];
	[sflag:s30] =	ssyncadd.s32 $0xFFFFD8F0  }
0x22: {  	[tilespmem:s12], [sflag:$0x1] =	stream.linear.gather [hbm4b:s26+s9], $0x2710, $0x38;
	[tilespmem:$0x19280] =	vst v63  }
0x23: {  	_ =	swait.ge [sflag:s30], $0x2710  }
0x24: {  	[sflag:s30] =	ssyncset.done $0x0  }
0x25: {  	s11 =	simm.s32 $0x40;
	s12 =	simm.s32 $0x0;
	[sflag:s30] =	ssyncadd.s32 $0xFFFFD8F0  }
.LBB2_2:
0x26: {  	p1 =	sne.s32 s11, $0x9C00;
	[tilespmem:s12+$0x7680] =	vst v0;
	s14 =	smov.u32 s11;
	s11 =	sadd.s32 $0x40, s11  }
.Ltmp0:
0x27: {  	[tilespmem:s12+$0x9E00] =	vst v1;
	(pc) =	sbr.rel @p1 .LBB2_2-.Ltmp0, $2  }
0x28: {  	_ =	sdelay $0x2  }
0x29: {  	s12 =	sshra.s32 s14, $0x2  }
0x2a: {  	[tilespmem:s12+$0x7680] =	vst v0  }
0x2b: {  	[tilespmem:s12+$0x9E00] =	vst v1  }
0x2c: {  	[spmem:s28] =	stream.linear.scatter [tilespmem:s0], [sflag:$0x1], $0x2710, $0x38;
	[tilespmem:$0x19280] =	vst v63  }
0x2d: {  	_ =	swait.ge [sflag:s30], $0x2710  }
0x2e: {  	[sflag:s30] =	ssyncset.done $0x0  }
0x2f: {  	s9 =	rddreg [dreg:$0x9];
	[sflag:s30] =	ssyncadd.s32 $0xFFFFD8F0  }
0x30: {  	[spmem:s9] =	stream.linear.scatter [tilespmem:s0], [sflag:$0x1], $0x2710, $0x38;
	[tilespmem:$0x19280] =	vst v63  }
0x31: {  	_ =	swait.ge [sflag:s30], $0x2710  }
0x32: {  	[sflag:s30] =	ssyncset.done $0x0  }
0x33: {  	s12 =	rddreg [dreg:$0xa];
	[sflag:s30] =	ssyncadd.s32 $0xFFFFD8F0  }
0x34: {  	[spmem:s12] =	stream.linear.scatter [tilespmem:s0], [sflag:$0x1], $0x2710, $0x38;
	[tilespmem:$0x19280] =	vst v63  }
0x35: {  	_ =	swait.ge [sflag:s30], $0x2710  }
0x36: {  	[sflag:s30] =	ssyncset.done $0x0  }
0x37: {  	s14 =	rddreg [dreg:$0xb];
	[sflag:s30] =	ssyncadd.s32 $0xFFFFD8F0  }
0x38: {  	[spmem:s14] =	stream.linear.scatter [tilespmem:s0], [sflag:$0x1], $0x2710, $0x38;
	[tilespmem:$0x19280] =	vst v63  }
0x39: {  	_ =	swait.ge [sflag:s30], $0x2710  }
0x3a: {  	[sflag:s30] =	ssyncset.done $0x0  }
0x3b: {  	s21 =	rddreg [dreg:$0xe];
	[sflag:s30] =	ssyncadd.s32 $0xFFFFD8F0  }
0x3c: {  	[spmem:s21] =	stream.linear.scatter [tilespmem:s0], [sflag:$0x1], $0x2710, $0x38;
	[tilespmem:$0x19280] =	vst v63  }
0x3d: {  	_ =	swait.ge [sflag:s30], $0x2710  }
0x3e: {  	[sflag:s30] =	ssyncset.done $0x0  }
0x3f: {  	s26 =	rddreg [dreg:$0xf];
	[sflag:s30] =	ssyncadd.s32 $0xFFFFD8F0  }
0x40: {  	[spmem:s26] =	stream.linear.scatter [tilespmem:s0], [sflag:$0x1], $0x730, $0x38;
	[tilespmem:$0x19280] =	vst v63  }
0x41: {  	_ =	swait.ge [sflag:s30], $0x730  }
0x42: {  	[sflag:s30] =	ssyncset.done $0x0  }
0x43: {  	[sflag:s30] =	ssyncadd.s32 $0xFFFFF8D0  }
0x44: {  	[spmem:s13] =	stream.linear.scatter [tilespmem:s0], [sflag:$0x1], $0x280, $0x38;
	[tilespmem:$0x19280] =	vst v63  }
0x45: {  	_ =	swait.ge [sflag:s30], $0x280  }
0x46: {  	[sflag:s30] =	ssyncset.done $0x0  }
0x47: {  	[sflag:s30] =	ssyncadd.s32 $0xFFFFFD80  }
0x48: {  	s11 =	simm.s32 @!p0 $0x2710;
	[bflag:$0x0] =	sbarrier.arrive $0xFFFF  }
0x49: {  	s12 =	simm.s32 @!p0 $0x0;
	s14 =	simm.s32 @!p0 $0x7680;
	s9 =	rddreg [dreg:$0x5]  }
0x4a: {  	[spmem:s9] =	stream.indirect.scatter.add.f32 @!p0 [tilespmem:s14], [sflag:$0x1], $0x1, s12, s11, $0xb8;
	[tilespmem:$0x19280] =	vst v63  }
0x4b: {  	s11 =	simm.s32 @!p0 $0x1  }
0x4c: {  	_ =	swait.ge @!p0 [sflag:s11], $0x2710  }
0x4d: {  	[sflag:s11] =	ssyncset.done @!p0 $0x0  }
0x4e: {  	[sflag:s11] =	ssyncadd.s32 @!p0 $0xFFFFD8F0  }
0x4f: {  	s12 =	sshll.u32 @!p0 s2, $0x6;
	[bflag:$0x0] =	sbarrier.arrive @!p0 $0xFFFF  }
0x50: {  	s14 =	sshrl.u32 @!p0 s13, $0x3;
	s12 =	sor.u32 @!p0 $0x1C01, s12;
	s9 =	rddreg [dreg:$0xc]  }
0x51: {  	[hbm:s9], [sflag:s12] =	dma.local @!p0 [spmem:s14], $0x50  }
0x52: {  	_ =	swait.ge @!p0 [sflag:s11], $0x50  }
0x53: {  	[sflag:s11] =	ssyncset.done @!p0 $0x0  }
0x54: {  	[sflag:s11] =	ssyncadd.s32 @!p0 $0xFFFFFFB0;
	s11 =	simm.s32 $0x0  }
.LBB2_4:
0x55: {  	s12 =	sshll.u32 s11, $0x1;
	s14 =	simm.s32 $0x0  }
0x56: {  	s12 =	sor.u32 s6, s12;
	v2 =	vld [tilespmem:s14+$0x0]  }
0x57: {  	s12 =	smul.u32 $0x50, s12;
	_ =	sdelay $0x1  }
0x58: {  	s21 =	sadd.s32 $0x50, s12  }
0x59: {  	v5 =	vld [tilespmem:s14+$0x2780];
	v3 =	vmov s12;
	v4 =	vmov s21;
	s21 =	simm.s32 $0x40  }
.LBB2_5:
0x5a: {  	s9 =	sshra.s32 s21, $0x2;
	p1 =	sne.s32 s21, $0x9C00;
	s21 =	sadd.s32 $0x40, s21;
	v6 =	vsub.s32 v2, v3  }
.Ltmp1:
0x5b: {  	vm0 =	vge.s32 v2, v3;
	vm1 =	vlt.s32 v2, v4;
	v2 =	vld [tilespmem:s9+$0x0];
	v6 =	vmul.u32 $0x2800, v6;
	(pc) =	sbr.rel @p1 .LBB2_5-.Ltmp1, $4  }
0x5c: {  	vm0 =	vmand vm0, vm1  }
0x5d: {  	v6 =	vnsel vm0, $0xC8000, v6  }
0x5e: {  	v6 =	vadd.s32 v5, v6  }
0x5f: {  	v5 =	vld [tilespmem:s9+$0x2780];
	[tilespmem:s14+$0x4F00] =	vst v6;
	s14 =	smov.u32 s9  }
0x60: {  	v6 =	vsub.s32 v2, v3  }
0x61: {  	vm0 =	vge.s32 v2, v3;
	vm1 =	vlt.s32 v2, v4;
	v2 =	vmul.u32 $0x2800, v6  }
0x62: {  	vm0 =	vmand vm0, vm1  }
0x63: {  	s9 =	sadd.s32 s29, s12;
	v2 =	vnsel vm0, $0xC8000, v2  }
0x64: {  	s12 =	sshrl.u32 s9, $0x3;
	v2 =	vadd.s32 v5, v2  }
0x65: {  	s21 =	sshll.u32 s2, $0x6;
	s12 =	smul.u32 $0x14000, s12;
	[tilespmem:s14+$0x4F00] =	vst v2  }
0x66: {  	[spmem:s3] =	stream.indirect.scatter.add.f32 [tilespmem:s5], [sflag:$0x1], $0x1, s31, s4, $0xb8;
	[tilespmem:$0x19280] =	vst v63  }
0x67: {  	s26 =	sadd.s32 $0x1, s9;
	s12 =	sor.u32 s15, s12;
	_ =	swait.ge [sflag:s30], $0x2710  }
0x68: {  	s21 =	sor.u32 $0x1C01, s21;
	s12 =	sshrl.u32 s12, $0x3;
	[sflag:s30] =	ssyncset.done $0x0  }
0x69: {  	s14 =	sshrl.u32 s26, $0x3;
	s26 =	sshrl.u32 s16, $0x3;
	[sflag:s30] =	ssyncadd.s32 $0xFFFFD8F0  }
0x6a: {  	s12 =	sadd.s32 s1, s12;
	s14 =	smul.u32 $0x14000, s14;
	[bflag:$0x0] =	sbarrier.arrive $0xFFFF  }
0x6b: {  	[hbm:s12@s7], [sflag:s21] =	dma.strided [spmem:s26@s8], $0x500, s30, $0x10   }
0x6c: {  	s14 =	sor.u32 s17, s14;
	s26 =	sadd.s32 $0x2, s9;
	_ =	swait.ge [sflag:s30], $0x500  }
0x6d: {  	s12 =	sshrl.u32 s14, $0x3;
	s14 =	sshrl.u32 s26, $0x3;
	[sflag:s30] =	ssyncset.done $0x0  }
0x6e: {  	s12 =	sadd.s32 s1, s12;
	s14 =	smul.u32 $0x14000, s14;
	[sflag:s30] =	ssyncadd.s32 $0xFFFFFB00  }
0x6f: {  	[hbm:s12@s7], [sflag:s21] =	dma.strided [spmem:s22@s8], $0x500, s30, $0x10   }
0x70: {  	s26 =	sadd.s32 $0x3, s9;
	s14 =	sor.u32 s18, s14;
	_ =	swait.ge [sflag:s30], $0x500  }
0x71: {  	s12 =	sshrl.u32 s14, $0x3;
	s14 =	sshrl.u32 s26, $0x3;
	[sflag:s30] =	ssyncset.done $0x0  }
0x72: {  	s12 =	sadd.s32 s1, s12;
	s14 =	smul.u32 $0x14000, s14;
	[sflag:s30] =	ssyncadd.s32 $0xFFFFFB00  }
0x73: {  	[hbm:s12@s7], [sflag:s21] =	dma.strided [spmem:s23@s8], $0x500, s30, $0x10   }
0x74: {  	s9 =	sadd.s32 $0x4, s9;
	s26 =	sor.u32 s19, s14;
	_ =	swait.ge [sflag:s30], $0x500  }
0x75: {  	s9 =	sshrl.u32 s9, $0x3;
	s12 =	sshrl.u32 s26, $0x3;
	[sflag:s30] =	ssyncset.done $0x0  }
0x76: {  	s9 =	smul.u32 $0x14000, s9;
	s12 =	sadd.s32 s1, s12;
	[sflag:s30] =	ssyncadd.s32 $0xFFFFFB00  }
0x77: {  	[hbm:s12@s7], [sflag:s21] =	dma.strided [spmem:s24@s8], $0x500, s30, $0x10   }
0x78: {  	s9 =	sor.u32 s20, s9;
	_ =	swait.ge [sflag:s30], $0x500  }
0x79: {  	s9 =	sshrl.u32 s9, $0x3;
	[sflag:s30] =	ssyncset.done $0x0  }
0x7a: {  	s9 =	sadd.s32 s1, s9;
	[sflag:s30] =	ssyncadd.s32 $0xFFFFFB00  }
0x7b: {  	[hbm:s9@s7], [sflag:s21] =	dma.strided [spmem:s25@s8], $0x500, s30, $0x10   }
0x7c: {  	_ =	swait.ge [sflag:s30], $0x500  }
0x7d: {  	[sflag:s30] =	ssyncset.done $0x0  }
0x7e: {  	s11 =	sadd.s32 $0x1, s11;
	[sflag:s30] =	ssyncadd.s32 $0xFFFFFB00  }
0x7f: {  	p1 =	sne.s32 s11, $0x40;
	[bflag:$0x0] =	sbarrier.arrive $0xFFFF  }
0x80: {  	[spmem:s3] =	stream.indirect.scatter [tilespmem:s0], [sflag:$0x1], $0x1, s31, s4, $0xb8;
	[tilespmem:$0x19280] =	vst v63  }
.Ltmp2:
0x81: {  	_ =	swait.ge [sflag:s30], $0x2710;
	(pc) =	sbr.rel @p1 .LBB2_4-.Ltmp2, $3  }
0x82: {  	[sflag:s30] =	ssyncset.done $0x0  }
0x83: {  	[sflag:s30] =	ssyncadd.s32 $0xFFFFD8F0  }
0x84: {  	[bflag:$0x0] =	sbarrier.arrive $0xFFFF;
	_ =	sdelay $0x1  }
0x85: {  	s10 =	sadd.s32 $0x1, s10;
	s9 =	rddreg [dreg:$0xd]  }
0x86: {  	p1 =	sne.s32 s10, s9  }
.Ltmp3:
0x87: {  	_ = 	snop;
	(pc) =	sbr.rel @p1 .LBB2_1-.Ltmp3, $1  }
0x88: {  	_ =	sdelay $0x3  }
0x89: {  	_ =	sfence.sel $0x180000  }
0x8a: {  	[bflag:$0x0] =	sbarrier.arrive $0xFFFF  }
0x8b: {  	_ =	strace $0x90000047  }
0x8c: {  	[bflag:$0x2] =	sbarrier.arrive $0xFFFF  }
0x8d: {  	p0 =	sne.s32 s2, $0x0;
	s0 =	rddreg [dreg:$0x6]  }
0x8e: {  	s0 =	sadd.s32 @!p0 $0x100000, s0  }
0x8f: {  	[sflag:s0] =	ssyncadd.tile.s32 @!p0 $0x1;
	_ =	shalt  }
.Lfunc_end2:
_tile_overlayer_lowered:
.L_overlay_start_2:
0x90: {  	(tag) =	ssettag $0x2  }
0x91: {  	s0 =	rddreg [dreg:$0x0];
	s2 =	stileid.u32  }
0x92: {  	s1 =	rddreg [dreg:$0x1];
	p0 =	sne.s32 s2, $0x0  }
0x93: {  	s3 =	rddreg [dreg:$0x2];
	[bflag:$0x3] =	sbarrier.arrive $0xFFFF;
	s2 =	simm.s32 @!p0 $0x1C01  }
0x94: {  	[timem:s3], [sflag:s2] =	dma.local @!p0 [hbm:s0], s1  }
0x95: {  	s0 =	simm.s32 @!p0 $0x1  }
0x96: {  	_ =	swait.ge @!p0 [sflag:s0], s1  }
0x97: {  	s1 =	ssub.s32 @!p0 $0x0, s1;
	[sflag:s0] =	ssyncset.done @!p0 $0x0  }
0x98: {  	[sflag:s0] =	ssyncadd.s32 @!p0 s1  }
0x99: {  	[bflag:$0x3] =	sbarrier.arrive $0xFFFF  }
0x9a: {  	_ =	shalt  }

</sc_bundles>
